<compile_context>
chip_gen: v7x
topology: tpu7x:2x2x1
jax: 0.10.2.dev20260603
libtpu: 0.0.44.dev20260713+nightly
codegen_flags: <defaults>
</compile_context>

<pallas_src>
import functools

import jax
import jax.numpy as jnp
from jax import lax
from jax.experimental import pallas as pl
from jax.experimental.pallas import tpu as pltpu
from jax.experimental.pallas import tpu_sc as plsc

_MAX_STEPS = 1000
_N_ROWS = _MAX_STEPS + 1
_PAD_ROWS = 1008
_D_IN = 128
_D_OUT = 512


def _build_table():
    steps = jnp.arange(_PAD_ROWS, dtype=jnp.float32)[:, None]
    dims = jnp.arange(64, dtype=jnp.float32)[None, :]
    t = steps * (10.0 ** (dims * 4.0 / 63.0))
    return jnp.stack([jnp.cos(t), jnp.sin(t)], axis=-1).reshape(_PAD_ROWS, -1)


_DN = (((1,), (1,)), ((), ()))


def _mlp_body(tab_ref, w1_ref, b1_ref, w2_ref, b2_ref, out_ref):
    h = lax.dot_general(tab_ref[...], w1_ref[...], _DN,
                        preferred_element_type=jnp.float32)
    h = h + b1_ref[...][None, :]
    h = h * jax.nn.sigmoid(h)
    z = lax.dot_general(h, w2_ref[...], _DN,
                        preferred_element_type=jnp.float32)
    z = z + b2_ref[...][None, :]
    out_ref[...] = z * jax.nn.sigmoid(z)


def _activated_table(table, W1, b1, W2, b2):
    return pl.pallas_call(
        _mlp_body,
        out_shape=jax.ShapeDtypeStruct((_PAD_ROWS, _D_OUT), jnp.float32),
    )(table, W1, b1, W2, b2)


@functools.cache
def _make_gather(batch, d):
    info = plsc.get_sparse_core_info()
    nc, ns = info.num_cores, info.num_subcores
    nw = nc * ns
    b_per_w = batch // nw
    ch = 64
    n_ch = b_per_w // ch
    nbuf = 2
    n_grp = n_ch // nbuf
    mesh = plsc.VectorSubcoreMesh(core_axis_name="c", subcore_axis_name="s")

    @functools.partial(
        pl.kernel,
        mesh=mesh,
        out_type=jax.ShapeDtypeStruct((batch, d), jnp.float32),
        scratch_types=[
            pltpu.VMEM((b_per_w,), jnp.int32),
        ]
        + [pltpu.VMEM((ch, d), jnp.float32)] * nbuf
        + [pltpu.SemaphoreType.DMA] * (2 * nbuf),
    )
    def gather_rows(tab_hbm, idx_hbm, out_hbm, idx_v, *bufs_sems):
        bufs = bufs_sems[:nbuf]
        gsems = bufs_sems[nbuf:2 * nbuf]
        ssems = bufs_sems[2 * nbuf:]
        wid = lax.axis_index("s") * nc + lax.axis_index("c")
        base = wid * b_per_w
        pltpu.sync_copy(idx_hbm.at[pl.ds(base, b_per_w)], idx_v)

        def gather_cp(c, b):
            return pltpu.make_async_copy(
                tab_hbm.at[idx_v.at[pl.ds(c * ch, ch)]], bufs[b], gsems[b])

        def store_cp(c, b):
            return pltpu.make_async_copy(
                bufs[b], out_hbm.at[pl.ds(base + c * ch, ch)], ssems[b])

        for b in range(nbuf):
            gather_cp(b, b).start()

        @pl.loop(0, n_grp)
        def _(grp):
            for b in range(nbuf):
                c = grp * nbuf + b
                gather_cp(c, b).wait()
                store_cp(c, b).start()

                @pl.when(grp < n_grp - 1)
                def _():
                    store_cp(c, b).wait()
                    gather_cp(c + nbuf, b).start()

        for b in range(nbuf):
            store_cp(n_ch - nbuf + b, b).wait()

    return gather_rows


def kernel(diffusion_step, W1, b1, W2, b2):
    table = _build_table()
    z = _activated_table(table, W1, b1, W2, b2)
    idx = jnp.clip(diffusion_step, 0, _MAX_STEPS).astype(jnp.int32)
    return _make_gather(diffusion_step.shape[0], _D_OUT)(z, idx)

# --- scband reference (transcript-rebuilt; emitter-appended) ---
"""Pipeline reference for scband-diffusion-embedding-21294447854235 (READ-ONLY COPY).

The authoritative reference and input builder live on the scoring server;
editing this copy changes nothing except your own understanding.
"""

import jax, jax.numpy as jnp
import numpy as np

MAX_STEPS = 1000
BATCH = 16384

def _build_embedding(n_rows):
    steps = jnp.arange(n_rows, dtype=jnp.float32)[:, None]
    dims = jnp.arange(64, dtype=jnp.float32)[None, :]
    t = steps * (10.0 ** (dims * 4.0 / 63.0))
    # torch.view_as_real(exp(1j*t)) interleaves (real, imag) = (cos, sin) per dim
    table = jnp.stack([jnp.cos(t), jnp.sin(t)], axis=-1).reshape(n_rows, -1)
    return table  # [n_rows, 128]

def silu(x):
    return x * jax.nn.sigmoid(x)

def setup_inputs(seed: int = 0) -> dict:
    key = jax.random.key(seed)
    k1, k2, k3, k4, k5 = jax.random.split(key, 5)
    diffusion_step = jax.random.randint(k1, (BATCH,), 0, MAX_STEPS, dtype=jnp.int64 if jax.config.jax_enable_x64 else jnp.int32).astype(jnp.int32)
    W1 = jax.random.normal(k2, (512, 128), dtype=jnp.float32) / np.sqrt(128.0)
    b1 = jnp.zeros((512,), dtype=jnp.float32)
    W2 = jax.random.normal(k3, (512, 512), dtype=jnp.float32) / np.sqrt(512.0)
    b2 = jnp.zeros((512,), dtype=jnp.float32)
    return {"diffusion_step": diffusion_step, "W1": W1, "b1": b1, "W2": W2, "b2": b2}

def reference(diffusion_step, W1, b1, W2, b2):
    table = _build_embedding(MAX_STEPS + 1)  # [1001, 128]
    x = jnp.take(table, diffusion_step, axis=0)  # integer path: embedding gather
    x = x @ W1.T + b1
    x = silu(x)
    x = x @ W2.T + b2
    x = silu(x)
    return x

if __name__ == "__main__":
    import jax
    _d = setup_inputs()
    print(jax.jit(kernel)(*tuple(_d.values())))

</pallas_src>

<mosaic_0001>
#map = affine_map<(d0, d1) -> (0, 0)>
#map1 = affine_map<(d0, d1) -> (0)>
module attributes {stable_mosaic.version = 14 : i64} {
  func.func @gather_rows(%arg0: i32, %arg1: i32, %arg2: memref<1008x512xf32, #tpu.memory_space<hbm>>, %arg3: memref<16384xi32, #tpu.memory_space<hbm>>, %arg4: memref<16384x512xf32, #tpu.memory_space<hbm>>, %arg5: memref<512xi32, #tpu.memory_space<vmem>>, %arg6: memref<64x512xf32, #tpu.memory_space<vmem>>, %arg7: memref<64x512xf32, #tpu.memory_space<vmem>>, %arg8: memref<!tpu.dma_semaphore, #tpu.memory_space<semaphore_mem>>, %arg9: memref<!tpu.dma_semaphore, #tpu.memory_space<semaphore_mem>>, %arg10: memref<!tpu.dma_semaphore, #tpu.memory_space<semaphore_mem>>, %arg11: memref<!tpu.dma_semaphore, #tpu.memory_space<semaphore_mem>>) attributes {dimension_semantics = [#tpu.dimension_semantics<core_parallel>, #tpu.dimension_semantics<subcore_parallel>], iteration_bounds = array<i64: 2, 16>, scalar_prefetch = 0 : i64, scratch_operands = 7 : i64, tpu.core_type = #tpu.core_type<sc_vector_subcore>, window_params = [{transform_indices = #map}, {transform_indices = #map1}, {transform_indices = #map}]} {
    %mul3A = arith.constant 2 : i32
    %mul3A_0 = arith.muli %arg1, %mul3A : i32
    %add3A = arith.addi %mul3A_0, %arg0 : i32
    %mul3A_1 = arith.constant 512 : i32
    %mul3A_2 = arith.muli %add3A, %mul3A_1 : i32
    "tpu.region"() ({
      %run_scoped3A = tpu.sem_alloc : memref<!tpu.dma_semaphore, #tpu.memory_space<semaphore_mem>>
      %dma_start3A_27 = tpu.memref_slice %arg3[%mul3A_2] : memref<16384xi32, #tpu.memory_space<hbm>> -> memref<512xi32, #tpu.memory_space<hbm>>
      %dma_start3A_28 = tpu.memref_slice %arg3[%mul3A_2] : memref<16384xi32, #tpu.memory_space<hbm>> -> memref<512xi32, #tpu.memory_space<hbm>>
      tpu.enqueue_dma source(%dma_start3A_28 : memref<512xi32, #tpu.memory_space<hbm>>) target(%arg5 : memref<512xi32, #tpu.memory_space<vmem>>) target_semaphore(%run_scoped3A : memref<!tpu.dma_semaphore, #tpu.memory_space<semaphore_mem>>)
      %dma_wait3A_29 = tpu.memref_slice %arg3[%mul3A_2] : memref<16384xi32, #tpu.memory_space<hbm>> -> memref<512xi32, #tpu.memory_space<hbm>>
      %dma_wait3A_30 = tpu.memref_slice %arg3[%mul3A_2] : memref<16384xi32, #tpu.memory_space<hbm>> -> memref<512xi32, #tpu.memory_space<hbm>>
      tpu.wait_dma2 semaphore(%run_scoped3A : memref<!tpu.dma_semaphore, #tpu.memory_space<semaphore_mem>>) src(%dma_wait3A_30 : memref<512xi32, #tpu.memory_space<hbm>>) dst(%arg5 : memref<512xi32, #tpu.memory_space<vmem>>)
      tpu.yield
    }) : () -> ()
    %dma_start3A = arith.constant 0 : i32
    %dma_start3A_3 = tpu.memref_slice %arg5[%dma_start3A] : memref<512xi32, #tpu.memory_space<vmem>> -> memref<64xi32, #tpu.memory_space<vmem>>
    %dma_start3A_4 = arith.constant 0 : i32
    %dma_start3A_5 = arith.constant 0 : i32
    %dma_start3A_6 = tpu.memref_slice %arg2[%dma_start3A_4, %dma_start3A_5] : memref<1008x512xf32, #tpu.memory_space<hbm>> -> memref<1008x512xf32, #tpu.memory_space<hbm>>
    tpu.enqueue_indirect_dma source(%dma_start3A_6 : memref<1008x512xf32, #tpu.memory_space<hbm>>) target(%arg6 : memref<64x512xf32, #tpu.memory_space<vmem>>) offsets(%dma_start3A_3 : memref<64xi32, #tpu.memory_space<vmem>>) semaphore(%arg8 : memref<!tpu.dma_semaphore, #tpu.memory_space<semaphore_mem>>)
    %dma_start3A_7 = arith.constant 64 : i32
    %dma_start3A_8 = tpu.memref_slice %arg5[%dma_start3A_7] : memref<512xi32, #tpu.memory_space<vmem>> -> memref<64xi32, #tpu.memory_space<vmem>>
    %dma_start3A_9 = arith.constant 0 : i32
    %dma_start3A_10 = arith.constant 0 : i32
    %dma_start3A_11 = tpu.memref_slice %arg2[%dma_start3A_9, %dma_start3A_10] : memref<1008x512xf32, #tpu.memory_space<hbm>> -> memref<1008x512xf32, #tpu.memory_space<hbm>>
    tpu.enqueue_indirect_dma source(%dma_start3A_11 : memref<1008x512xf32, #tpu.memory_space<hbm>>) target(%arg7 : memref<64x512xf32, #tpu.memory_space<vmem>>) offsets(%dma_start3A_8 : memref<64xi32, #tpu.memory_space<vmem>>) semaphore(%arg9 : memref<!tpu.dma_semaphore, #tpu.memory_space<semaphore_mem>>)
    %scan3A = arith.constant 0 : i32
    %scan3A_12 = arith.constant 4 : i32
    %scan3A_13 = arith.addi %scan3A, %scan3A_12 : i32
    %scan3A_14 = arith.constant 1 : i32
    scf.for %scan3A_27 = %scan3A to %scan3A_13 step %scan3A_14  : i32 {
      %mul3A_28 = arith.constant 1 : i32
      %mul3A_29 = arith.muli %scan3A_27, %mul3A_28 : i32
      %add3A_30 = arith.constant 0 : i32
      %add3A_31 = arith.addi %add3A_30, %mul3A_29 : i32
      %mul3A_32 = arith.constant 2 : i32
      %mul3A_33 = arith.muli %add3A_31, %mul3A_32 : i32
      %add3A_34 = arith.constant 0 : i32
      %add3A_35 = arith.addi %mul3A_33, %add3A_34 : i32
      %mul3A_36 = arith.constant 64 : i32
      %mul3A_37 = arith.muli %add3A_35, %mul3A_36 : i32
      %dma_wait3A_38 = tpu.memref_slice %arg5[%mul3A_37] : memref<512xi32, #tpu.memory_space<vmem>> -> memref<64xi32, #tpu.memory_space<vmem>>
      %dma_wait3A_39 = arith.constant 0 : i32
      %dma_wait3A_40 = arith.constant 0 : i32
      %dma_wait3A_41 = tpu.memref_slice %arg2[%dma_wait3A_39, %dma_wait3A_40] : memref<1008x512xf32, #tpu.memory_space<hbm>> -> memref<1008x512xf32, #tpu.memory_space<hbm>>
      tpu.wait_indirect_dma semaphore(%arg8 : memref<!tpu.dma_semaphore, #tpu.memory_space<semaphore_mem>>) src(%dma_wait3A_41 : memref<1008x512xf32, #tpu.memory_space<hbm>>) dst(%arg6 : memref<64x512xf32, #tpu.memory_space<vmem>>)
      %mul3A_42 = arith.constant 64 : i32
      %mul3A_43 = arith.muli %add3A_35, %mul3A_42 : i32
      %add3A_44 = arith.addi %mul3A_2, %mul3A_43 : i32
      %dma_start3A_45 = arith.constant 0 : i32
      %dma_start3A_46 = tpu.memref_slice %arg4[%add3A_44, %dma_start3A_45] : memref<16384x512xf32, #tpu.memory_space<hbm>> -> memref<64x512xf32, #tpu.memory_space<hbm>>
      %dma_start3A_47 = arith.constant 0 : i32
      %dma_start3A_48 = tpu.memref_slice %arg4[%add3A_44, %dma_start3A_47] : memref<16384x512xf32, #tpu.memory_space<hbm>> -> memref<64x512xf32, #tpu.memory_space<hbm>>
      tpu.enqueue_dma source(%arg6 : memref<64x512xf32, #tpu.memory_space<vmem>>) target(%dma_start3A_48 : memref<64x512xf32, #tpu.memory_space<hbm>>) target_semaphore(%arg10 : memref<!tpu.dma_semaphore, #tpu.memory_space<semaphore_mem>>)
      %lt3A = arith.constant 3 : i32
      %lt3A_49 = arith.cmpi slt, %add3A_31, %lt3A : i32
      %convert_element_type3A = arith.extui %lt3A_49 : i1 to i32
      %cond3A = arith.constant 0 : i32
      %cond3A_50 = arith.cmpi ne, %convert_element_type3A, %cond3A : i32
      scf.if %cond3A_50 {
        %mul3A_73 = arith.constant 64 : i32
        %mul3A_74 = arith.muli %add3A_35, %mul3A_73 : i32
        %add3A_75 = arith.addi %mul3A_2, %mul3A_74 : i32
        %dma_wait3A_76 = arith.constant 0 : i32
        %dma_wait3A_77 = tpu.memref_slice %arg4[%add3A_75, %dma_wait3A_76] : memref<16384x512xf32, #tpu.memory_space<hbm>> -> memref<64x512xf32, #tpu.memory_space<hbm>>
        %dma_wait3A_78 = arith.constant 0 : i32
        %dma_wait3A_79 = tpu.memref_slice %arg4[%add3A_75, %dma_wait3A_78] : memref<16384x512xf32, #tpu.memory_space<hbm>> -> memref<64x512xf32, #tpu.memory_space<hbm>>
        tpu.wait_dma2 semaphore(%arg10 : memref<!tpu.dma_semaphore, #tpu.memory_space<semaphore_mem>>) src(%arg6 : memref<64x512xf32, #tpu.memory_space<vmem>>) dst(%dma_wait3A_79 : memref<64x512xf32, #tpu.memory_space<hbm>>)
        %add3A_80 = arith.constant 2 : i32
        %add3A_81 = arith.addi %add3A_35, %add3A_80 : i32
        %mul3A_82 = arith.constant 64 : i32
        %mul3A_83 = arith.muli %add3A_81, %mul3A_82 : i32
        %dma_start3A_84 = tpu.memref_slice %arg5[%mul3A_83] : memref<512xi32, #tpu.memory_space<vmem>> -> memref<64xi32, #tpu.memory_space<vmem>>
        %dma_start3A_85 = arith.constant 0 : i32
        %dma_start3A_86 = arith.constant 0 : i32
        %dma_start3A_87 = tpu.memref_slice %arg2[%dma_start3A_85, %dma_start3A_86] : memref<1008x512xf32, #tpu.memory_space<hbm>> -> memref<1008x512xf32, #tpu.memory_space<hbm>>
        tpu.enqueue_indirect_dma source(%dma_start3A_87 : memref<1008x512xf32, #tpu.memory_space<hbm>>) target(%arg6 : memref<64x512xf32, #tpu.memory_space<vmem>>) offsets(%dma_start3A_84 : memref<64xi32, #tpu.memory_space<vmem>>) semaphore(%arg8 : memref<!tpu.dma_semaphore, #tpu.memory_space<semaphore_mem>>)
      } else {
      }
      %mul3A_51 = arith.constant 2 : i32
      %mul3A_52 = arith.muli %add3A_31, %mul3A_51 : i32
      %add3A_53 = arith.constant 1 : i32
      %add3A_54 = arith.addi %mul3A_52, %add3A_53 : i32
      %mul3A_55 = arith.constant 64 : i32
      %mul3A_56 = arith.muli %add3A_54, %mul3A_55 : i32
      %dma_wait3A_57 = tpu.memref_slice %arg5[%mul3A_56] : memref<512xi32, #tpu.memory_space<vmem>> -> memref<64xi32, #tpu.memory_space<vmem>>
      %dma_wait3A_58 = arith.constant 0 : i32
      %dma_wait3A_59 = arith.constant 0 : i32
      %dma_wait3A_60 = tpu.memref_slice %arg2[%dma_wait3A_58, %dma_wait3A_59] : memref<1008x512xf32, #tpu.memory_space<hbm>> -> memref<1008x512xf32, #tpu.memory_space<hbm>>
      tpu.wait_indirect_dma semaphore(%arg9 : memref<!tpu.dma_semaphore, #tpu.memory_space<semaphore_mem>>) src(%dma_wait3A_60 : memref<1008x512xf32, #tpu.memory_space<hbm>>) dst(%arg7 : memref<64x512xf32, #tpu.memory_space<vmem>>)
      %mul3A_61 = arith.constant 64 : i32
      %mul3A_62 = arith.muli %add3A_54, %mul3A_61 : i32
      %add3A_63 = arith.addi %mul3A_2, %mul3A_62 : i32
      %dma_start3A_64 = arith.constant 0 : i32
      %dma_start3A_65 = tpu.memref_slice %arg4[%add3A_63, %dma_start3A_64] : memref<16384x512xf32, #tpu.memory_space<hbm>> -> memref<64x512xf32, #tpu.memory_space<hbm>>
      %dma_start3A_66 = arith.constant 0 : i32
      %dma_start3A_67 = tpu.memref_slice %arg4[%add3A_63, %dma_start3A_66] : memref<16384x512xf32, #tpu.memory_space<hbm>> -> memref<64x512xf32, #tpu.memory_space<hbm>>
      tpu.enqueue_dma source(%arg7 : memref<64x512xf32, #tpu.memory_space<vmem>>) target(%dma_start3A_67 : memref<64x512xf32, #tpu.memory_space<hbm>>) target_semaphore(%arg11 : memref<!tpu.dma_semaphore, #tpu.memory_space<semaphore_mem>>)
      %lt3A_68 = arith.constant 3 : i32
      %lt3A_69 = arith.cmpi slt, %add3A_31, %lt3A_68 : i32
      %convert_element_type3A_70 = arith.extui %lt3A_69 : i1 to i32
      %cond3A_71 = arith.constant 0 : i32
      %cond3A_72 = arith.cmpi ne, %convert_element_type3A_70, %cond3A_71 : i32
      scf.if %cond3A_72 {
        %mul3A_73 = arith.constant 64 : i32
        %mul3A_74 = arith.muli %add3A_54, %mul3A_73 : i32
        %add3A_75 = arith.addi %mul3A_2, %mul3A_74 : i32
        %dma_wait3A_76 = arith.constant 0 : i32
        %dma_wait3A_77 = tpu.memref_slice %arg4[%add3A_75, %dma_wait3A_76] : memref<16384x512xf32, #tpu.memory_space<hbm>> -> memref<64x512xf32, #tpu.memory_space<hbm>>
        %dma_wait3A_78 = arith.constant 0 : i32
        %dma_wait3A_79 = tpu.memref_slice %arg4[%add3A_75, %dma_wait3A_78] : memref<16384x512xf32, #tpu.memory_space<hbm>> -> memref<64x512xf32, #tpu.memory_space<hbm>>
        tpu.wait_dma2 semaphore(%arg11 : memref<!tpu.dma_semaphore, #tpu.memory_space<semaphore_mem>>) src(%arg7 : memref<64x512xf32, #tpu.memory_space<vmem>>) dst(%dma_wait3A_79 : memref<64x512xf32, #tpu.memory_space<hbm>>)
        %add3A_80 = arith.constant 2 : i32
        %add3A_81 = arith.addi %add3A_54, %add3A_80 : i32
        %mul3A_82 = arith.constant 64 : i32
        %mul3A_83 = arith.muli %add3A_81, %mul3A_82 : i32
        %dma_start3A_84 = tpu.memref_slice %arg5[%mul3A_83] : memref<512xi32, #tpu.memory_space<vmem>> -> memref<64xi32, #tpu.memory_space<vmem>>
        %dma_start3A_85 = arith.constant 0 : i32
        %dma_start3A_86 = arith.constant 0 : i32
        %dma_start3A_87 = tpu.memref_slice %arg2[%dma_start3A_85, %dma_start3A_86] : memref<1008x512xf32, #tpu.memory_space<hbm>> -> memref<1008x512xf32, #tpu.memory_space<hbm>>
        tpu.enqueue_indirect_dma source(%dma_start3A_87 : memref<1008x512xf32, #tpu.memory_space<hbm>>) target(%arg7 : memref<64x512xf32, #tpu.memory_space<vmem>>) offsets(%dma_start3A_84 : memref<64xi32, #tpu.memory_space<vmem>>) semaphore(%arg9 : memref<!tpu.dma_semaphore, #tpu.memory_space<semaphore_mem>>)
      } else {
      }
    }
    %scan3A_15 = arith.constant 4 : i32
    %add3A_16 = arith.constant 384 : i32
    %add3A_17 = arith.addi %mul3A_2, %add3A_16 : i32
    %dma_wait3A = arith.constant 0 : i32
    %dma_wait3A_18 = tpu.memref_slice %arg4[%add3A_17, %dma_wait3A] : memref<16384x512xf32, #tpu.memory_space<hbm>> -> memref<64x512xf32, #tpu.memory_space<hbm>>
    %dma_wait3A_19 = arith.constant 0 : i32
    %dma_wait3A_20 = tpu.memref_slice %arg4[%add3A_17, %dma_wait3A_19] : memref<16384x512xf32, #tpu.memory_space<hbm>> -> memref<64x512xf32, #tpu.memory_space<hbm>>
    tpu.wait_dma2 semaphore(%arg10 : memref<!tpu.dma_semaphore, #tpu.memory_space<semaphore_mem>>) src(%arg6 : memref<64x512xf32, #tpu.memory_space<vmem>>) dst(%dma_wait3A_20 : memref<64x512xf32, #tpu.memory_space<hbm>>)
    %add3A_21 = arith.constant 448 : i32
    %add3A_22 = arith.addi %mul3A_2, %add3A_21 : i32
    %dma_wait3A_23 = arith.constant 0 : i32
    %dma_wait3A_24 = tpu.memref_slice %arg4[%add3A_22, %dma_wait3A_23] : memref<16384x512xf32, #tpu.memory_space<hbm>> -> memref<64x512xf32, #tpu.memory_space<hbm>>
    %dma_wait3A_25 = arith.constant 0 : i32
    %dma_wait3A_26 = tpu.memref_slice %arg4[%add3A_22, %dma_wait3A_25] : memref<16384x512xf32, #tpu.memory_space<hbm>> -> memref<64x512xf32, #tpu.memory_space<hbm>>
    tpu.wait_dma2 semaphore(%arg11 : memref<!tpu.dma_semaphore, #tpu.memory_space<semaphore_mem>>) src(%arg7 : memref<64x512xf32, #tpu.memory_space<vmem>>) dst(%dma_wait3A_26 : memref<64x512xf32, #tpu.memory_space<hbm>>)
    return
  }
}

module attributes {stable_mosaic.version = 14 : i64} {
  func.func @_mlp_body(%arg0: memref<1008x128xf32, #tpu.memory_space<vmem>>, %arg1: memref<512x128xf32, #tpu.memory_space<vmem>>, %arg2: memref<512xf32, #tpu.memory_space<vmem>>, %arg3: memref<512x512xf32, #tpu.memory_space<vmem>>, %arg4: memref<512xf32, #tpu.memory_space<vmem>>, %arg5: memref<1008x512xf32, #tpu.memory_space<vmem>>) attributes {dimension_semantics = [], scalar_prefetch = 0 : i64, scratch_operands = 0 : i64, tpu.core_type = #tpu.core_type<tc>} {
    %get3A = arith.constant 0 : index
    %get3A_0 = arith.constant 0 : index
    %get3A_1 = vector.load %arg0[%get3A, %get3A_0] : memref<1008x128xf32, #tpu.memory_space<vmem>>, vector<1008x128xf32>
    %get3A_2 = arith.constant 0 : index
    %get3A_3 = arith.constant 0 : index
    %get3A_4 = vector.load %arg1[%get3A_2, %get3A_3] : memref<512x128xf32, #tpu.memory_space<vmem>>, vector<512x128xf32>
    %dot_general3A = arith.constant dense<0.000000e+00> : vector<1008x512xf32>
    %dot_general3A_5 = tpu.matmul %get3A_1, %get3A_4, %dot_general3A {dimension_numbers = #tpu.dot_dimension_numbers<[1], [1], [0], [0], [0, 0, 1, 0], [], []>, transpose_lhs_hint = false} : vector<1008x128xf32>, vector<512x128xf32>, vector<1008x512xf32> -> vector<1008x512xf32>
    %get3A_6 = arith.constant 0 : index
    %get3A_7 = vector.load %arg2[%get3A_6] : memref<512xf32, #tpu.memory_space<vmem>>, vector<512xf32>
    %broadcast_in_dim3A = vector.shape_cast %get3A_7 : vector<512xf32> to vector<1x512xf32>
    %add3A = vector.broadcast %broadcast_in_dim3A : vector<1x512xf32> to vector<1008x512xf32>
    %add3A_8 = arith.addf %dot_general3A_5, %add3A : vector<1008x512xf32>
    %logistic3A = arith.negf %add3A_8 : vector<1008x512xf32>
    %logistic3A_9 = math.exp %logistic3A : vector<1008x512xf32>
    %logistic3A_10 = arith.constant 1.000000e+00 : f32
    %logistic3A_11 = vector.broadcast %logistic3A_10 : f32 to vector<1008x512xf32>
    %logistic3A_12 = arith.addf %logistic3A_11, %logistic3A_9 : vector<1008x512xf32>
    %logistic3A_13 = arith.divf %logistic3A_11, %logistic3A_12 : vector<1008x512xf32>
    %mul3A = arith.mulf %add3A_8, %logistic3A_13 : vector<1008x512xf32>
    %get3A_14 = arith.constant 0 : index
    %get3A_15 = arith.constant 0 : index
    %get3A_16 = vector.load %arg3[%get3A_14, %get3A_15] : memref<512x512xf32, #tpu.memory_space<vmem>>, vector<512x512xf32>
    %dot_general3A_17 = arith.constant dense<0.000000e+00> : vector<1008x512xf32>
    %dot_general3A_18 = tpu.matmul %mul3A, %get3A_16, %dot_general3A_17 {dimension_numbers = #tpu.dot_dimension_numbers<[1], [1], [0], [0], [0, 0, 1, 0], [], []>, transpose_lhs_hint = false} : vector<1008x512xf32>, vector<512x512xf32>, vector<1008x512xf32> -> vector<1008x512xf32>
    %get3A_19 = arith.constant 0 : index
    %get3A_20 = vector.load %arg4[%get3A_19] : memref<512xf32, #tpu.memory_space<vmem>>, vector<512xf32>
    %broadcast_in_dim3A_21 = vector.shape_cast %get3A_20 : vector<512xf32> to vector<1x512xf32>
    %add3A_22 = vector.broadcast %broadcast_in_dim3A_21 : vector<1x512xf32> to vector<1008x512xf32>
    %add3A_23 = arith.addf %dot_general3A_18, %add3A_22 : vector<1008x512xf32>
    %logistic3A_24 = arith.negf %add3A_23 : vector<1008x512xf32>
    %logistic3A_25 = math.exp %logistic3A_24 : vector<1008x512xf32>
    %logistic3A_26 = arith.constant 1.000000e+00 : f32
    %logistic3A_27 = vector.broadcast %logistic3A_26 : f32 to vector<1008x512xf32>
    %logistic3A_28 = arith.addf %logistic3A_27, %logistic3A_25 : vector<1008x512xf32>
    %logistic3A_29 = arith.divf %logistic3A_27, %logistic3A_28 : vector<1008x512xf32>
    %mul3A_30 = arith.mulf %add3A_23, %logistic3A_29 : vector<1008x512xf32>
    %swap3A = arith.constant 0 : index
    %swap3A_31 = arith.constant 0 : index
    %swap3A_32 = vector.load %arg5[%swap3A, %swap3A_31] : memref<1008x512xf32, #tpu.memory_space<vmem>>, vector<1008x512xf32>
    tpu.vector_store %arg5[%swap3A, %swap3A_31], %mul3A_30 {strides = array<i32>} : memref<1008x512xf32, #tpu.memory_space<vmem>>, vector<1008x512xf32>,
    return
  }
}

</mosaic_0001>

<sc_bundles>
// kernel: kernel.4.cloned.1.call-start
scs
__scs_entry_jumppad:
0x0: {  	(pc) =	sbr.rel $0x88, $3  }
0x1: {  	(tag) =	ssettag $0x0;
	lr =	simm.s32 $0x1  }
0x2: {  	[smem:$0x3F9C] =	sst lr;
	_ =	strace $0xD0000000  }
0x3: {  	_ = 	snop  }
0x4: {  	_ = 	snop  }
0x5: {  	_ = 	snop  }
0x6: {  	_ = 	snop  }
0x7: {  	_ = 	snop  }
__scs_overlays_trampoline_lowered:
0x8: {  	[smem:$0x3FAB] =	sst s0  }
0x9: {  	[smem:$0x3FAC] =	sst s1  }
0xa: {  	[smem:$0x3FAD] =	sst s2  }
0xb: {  	[smem:$0x3FAE] =	sst s3  }
0xc: {  	[smem:$0x3FAF] =	sst s4  }
0xd: {  	[smem:$0x3FB0] =	sst s5  }
0xe: {  	[smem:$0x3FB1] =	sst s6  }
0xf: {  	[smem:$0x3FB2] =	sst s7  }
0x10: {  	[smem:$0x3FB3] =	sst s8  }
0x11: {  	[smem:$0x3FB4] =	sst s9;
	s0 =	simm.s32 @!p0 $0x0  }
0x12: {  	s1 =	sld [smem:$0x3F9A];
	s0 =	simm.s32 @p0 $0x1  }
0x13: {  	[smem:$0x3FB5] =	sst s0;
	s0 =	simm.s32 @!p1 $0x0  }
0x14: {  	s2 =	sld [smem:$0x3F99];
	s0 =	simm.s32 @p1 $0x1  }
0x15: {  	[smem:$0x3FB6] =	sst s0;
	s0 =	simm.s32 @!p2 $0x0  }
0x16: {  	s3 =	sld [smem:$0x3FDB];
	s0 =	simm.s32 @p2 $0x1  }
0x17: {  	s4 =	simm.s32 $0x1BF5;
	[smem:$0x3FB8] =	sst s0  }
0x18: {  	s0 =	sld [smem:$0x3F9B];
	_ =	swait.ge [sflag:s4], $0x0  }
0x19: {  	s7 =	sld [smem:$0x3F9C]  }
0x1a: {  	s8 =	sadd.s32 $0xFFFFE003, lr  }
0x1b: {  	s9 =	sadd.s32 $0xFFFFFEF7, lr;
	s5 =	simm.s32 $0xFFFFFFFF;
	p2 =	slt.u32 s8, $0xFFFFF086  }
0x1c: {  	p1 =	slt.u32 s9, $0xF7A;
	s5 =	simm.s32 @!p2 $0x0  }
0x1d: {  	s5 =	simm.s32 @p1 $0x1;
	p0 =	seq.s32 s7, s2  }
0x1e: {  	s7 =	smul.u32 @!p0 $0xF7A, s2;
	p2 =	seq.s32 @!p0 s5, $0x0  }
0x1f: {  	s9 =	smul.u32 $0xF7A, s1;
	s8 =	simm.s32 @!p0 $0x1BF5;
	p2 =	por !p2, p0  }
0x20: {  	[sflag:s8] =	ssyncset.s32 @!p0 $0xFFFFF086;
	s6 =	sadd.s32 @!p0 s3, s7;
	s7 =	simm.s32 @!p0 $0x108  }
0x21: {  	s3 =	sadd.s32 s3, s9;
	s6 =	sadd.s32 @!p0 $0x88, s6;
	s7 =	simm.s32 @p2 $0x1082  }
0x22: {  	[simem:s7], [sflag:s8] =	dma.local @!p0 [hbm:s6], $0xF7A  }
0x23: {  	s9 =	sor.u32 $0xD0000000, s2;
	s6 =	simm.s32 $0x108;
	_ =	swait.ge @!p0 [sflag:s8], $0x0  }
0x24: {  	s3 =	sadd.s32 $0x88, s3;
	s6 =	simm.s32 @!p1 $0x1082;
	[sflag:s4] =	ssyncset.s32 $0xFFFFF086  }
0x25: {  	[simem:s6], [sflag:s4] =	dma.local [hbm:s3], $0xF7A  }
0x26: {  	[smem:$0x3F9C] =	sst s1;
	(tag) =	ssettag s2;
	_ =	strace s9  }
0x27: {  	s1 =	sld [smem:$0x3FAC]  }
0x28: {  	s2 =	sld [smem:$0x3FAD]  }
0x29: {  	s4 =	sld [smem:$0x3FAF]  }
0x2a: {  	p0 =	seq.s32 s5, $0x0;
	s5 =	sld [smem:$0x3FB0]  }
0x2b: {  	s6 =	sld [smem:$0x3FB1]  }
0x2c: {  	s7 =	sld [smem:$0x3FB2]  }
0x2d: {  	s3 =	simm.s32 $0x108;
	s8 =	sld [smem:$0x3FB3]  }
0x2e: {  	s3 =	simm.s32 @!p0 $0x1082;
	s9 =	sld [smem:$0x3FB4]  }
0x2f: {  	lr =	sadd.s32 s0, s3;
	s0 =	sld [smem:$0x3FAB]  }
0x30: {  	s3 =	sld [smem:$0x3FAE]  }
0x31: {  	[smem:$0x3FB7] =	sst s10  }
0x32: {  	s10 =	sld [smem:$0x3FB5];
	_ =	sdelay $0x3  }
0x33: {  	p0 =	seq.s32 s10, $0x1;
	s10 =	sld [smem:$0x3FB7];
	_ =	sdelay $0x3  }
0x34: {  	[smem:$0x3FB7] =	sst s10  }
0x35: {  	s10 =	sld [smem:$0x3FB6];
	_ =	sdelay $0x3  }
0x36: {  	p1 =	seq.s32 s10, $0x1;
	s10 =	sld [smem:$0x3FB7];
	_ =	sdelay $0x3  }
0x37: {  	[smem:$0x3FB7] =	sst s10  }
0x38: {  	s10 =	sld [smem:$0x3FB8]  }
0x39: {  	_ = 	snop;
	(pc) =	sbr.ind lr, $3  }
0x3a: {  	_ = 	snop  }
0x3b: {  	_ = 	snop  }
0x3c: {  	p2 =	seq.s32 s10, $0x1;
	s10 =	sld [smem:$0x3FB7]  }
0x3d: {  	_ =	shalt  }
0x3e: {  	_ =	shalt  }
0x3f: {  	_ =	shalt  }
0x40: {  	_ =	shalt  }
0x41: {  	_ =	shalt  }
0x42: {  	_ =	shalt  }
0x43: {  	_ =	shalt  }
0x44: {  	_ =	shalt  }
0x45: {  	_ =	shalt  }
0x46: {  	_ =	shalt  }
0x47: {  	_ =	shalt  }
0x48: {  	_ =	shalt  }
0x49: {  	_ =	shalt  }
0x4a: {  	_ =	shalt  }
0x4b: {  	_ =	shalt  }
0x4c: {  	_ =	shalt  }
0x4d: {  	_ =	shalt  }
0x4e: {  	_ =	shalt  }
0x4f: {  	_ =	shalt  }
0x50: {  	_ =	shalt  }
0x51: {  	_ =	shalt  }
0x52: {  	_ =	shalt  }
0x53: {  	_ =	shalt  }
0x54: {  	_ =	shalt  }
0x55: {  	_ =	shalt  }
0x56: {  	_ =	shalt  }
0x57: {  	_ =	shalt  }
0x58: {  	_ =	shalt  }
0x59: {  	_ =	shalt  }
0x5a: {  	_ =	shalt  }
0x5b: {  	_ =	shalt  }
0x5c: {  	_ =	shalt  }
0x5d: {  	_ =	shalt  }
0x5e: {  	_ =	shalt  }
0x5f: {  	_ =	shalt  }
0x60: {  	_ =	shalt  }
0x61: {  	_ =	shalt  }
0x62: {  	_ =	shalt  }
0x63: {  	_ =	shalt  }
0x64: {  	_ =	shalt  }
0x65: {  	_ =	shalt  }
0x66: {  	_ =	shalt  }
0x67: {  	_ =	shalt  }
0x68: {  	_ =	shalt  }
0x69: {  	_ =	shalt  }
0x6a: {  	_ =	shalt  }
0x6b: {  	_ =	shalt  }
0x6c: {  	_ =	shalt  }
0x6d: {  	_ =	shalt  }
0x6e: {  	_ =	shalt  }
0x6f: {  	_ =	shalt  }
0x70: {  	_ =	shalt  }
0x71: {  	_ =	shalt  }
0x72: {  	_ =	shalt  }
0x73: {  	_ =	shalt  }
0x74: {  	_ =	shalt  }
0x75: {  	_ =	shalt  }
0x76: {  	_ =	shalt  }
0x77: {  	_ =	shalt  }
0x78: {  	_ =	shalt  }
0x79: {  	_ =	shalt  }
0x7a: {  	_ =	shalt  }
0x7b: {  	_ =	shalt  }
0x7c: {  	_ =	shalt  }
0x7d: {  	_ =	shalt  }
0x7e: {  	_ =	shalt  }
0x7f: {  	_ =	shalt  }
0x80: {  	_ =	shalt  }
0x81: {  	_ =	shalt  }
0x82: {  	_ =	shalt  }
0x83: {  	_ =	shalt  }
0x84: {  	_ =	shalt  }
0x85: {  	_ =	shalt  }
0x86: {  	_ =	shalt  }
0x87: {  	_ =	shalt  }
.Lfunc_end0:
.L_simem_size_0:
called_computation_lowered:
.L_overlay_start_0:
0x88: {  	s2 =	sld [smem:$0x3FD9]  }
0x89: {  	s3 =	sld [smem:$0x3FFE];
	_ =	sdelay $0x1  }
0x8a: {  	s1 =	srdreg.scid  }
0x8b: {  	s0 =	sand.u32 $0x1, s1  }
0x8c: {  	s17 =	sshll.u32 s0, $0xA;
	s2 =	sadd.s32 s3, s2  }
0x8d: {  	s2 =	sadd.s32 s2, s17  }
0x8e: {  	[smem:$0x3FC3] =	sst s2  }
0x8f: {  	_ = 	snop  }
0x90: {  	s2 =	sld [smem:$0x3FD0];
	(tm) =	ssettm $0x1  }
0x91: {  	s18 =	sld [smem:$0x3FFB];
	_ =	sdelay $0x3  }
0x92: {  	_ =	strace s18  }
0x93: {  	s3 =	sld [smem:$0x3FFC];
	_ =	sdelay $0x3  }
0x94: {  	_ =	strace s3  }
0x95: {  	s3 =	sld [smem:$0x3FFD];
	_ =	sdelay $0x3  }
0x96: {  	_ =	strace s3  }
0x97: {  	_ =	strace $0x8FFFFFFF  }
0x98: {  	s19 =	sld [smem:$0x3FDB];
	_ =	sdelay $0x1  }
0x99: {  	s4 =	simm.s32 $_scs_section_size  }
0x9a: {  	s5 =	simm.s32 $_size__tile_overlayer_lowered;
	s6 =	simm.s32 $_tile_overlayer_lowered  }
0x9b: {  	s22 =	simm.s32 $0x1BFF;
	s21 =	sshll.u32 s6, $0x1;
	s3 =	sadd.s32 s4, s19  }
0x9c: {  	s7 =	simm.s32 $0x0;
	s20 =	sshll.u32 s5, $0x1;
	s5 =	sadd.s32 s21, s3  }
0x9d: {  	[timem:s7], [sflag:s22] =	dma.local [hbm:s5], s20  }
0x9e: {  	_ =	swait.ge [sflag:s22], s20  }
0x9f: {  	s4 =	ssub.s32 $0x0, s20;
	[sflag:s22] =	ssyncset.done $0x0  }
0xa0: {  	[sflag:s22] =	ssyncadd.s32 s4;
	_ =	sdelay $0x1  }
0xa1: {  	s23 =	simm.s32 $0x1B8B  }
0xa2: {  	_ =	swait.ge [sflag:s23], $0x1  }
0xa3: {  	[sflag:s23] =	ssyncset.done $0x0  }
0xa4: {  	s25 =	simm.s32 $0x1B8E;
	s24 =	sld [smem:$0x3FFE];
	[sflag:s23] =	ssyncadd.s32 $0xFFFFFFFF  }
0xa5: {  	s26 =	simm.s32 $execute0_lowered;
	[smem:$0x3FD2] =	sst s25  }
0xa6: {  	s5 =	sshll.u32 s26, $0x1;
	_ =	strace $0x80000046;
	[dreg:$0x1] =	wrdreg $0xFFFFFFFF  }
0xa7: {  	s28 =	simm.s32 $_size_execute0_lowered;
	s3 =	sadd.s32 s3, s5;
	[dreg:$0x0] =	wrdreg $0x0  }
0xa8: {  	s5 =	sshll.u32 s28, $0x1;
	[dreg:$0x2] =	wrdreg s3  }
0xa9: {  	[dreg:$0x3] =	wrdreg s5  }
0xaa: {  	[dreg:$0x4] =	wrdreg $0xC0  }
0xab: {  	_ =	task [dreg:s7], $0x5FFFF  }
0xac: {  	[dreg:$0x1] =	wrdreg $0xFFFFFFFF  }
0xad: {  	[dreg:$0x0] =	wrdreg $0x60  }
0xae: {  	[dreg:$0x2] =	wrdreg s24  }
0xaf: {  	[dreg:$0x3] =	wrdreg s2  }
0xb0: {  	[dreg:$0x4] =	wrdreg $0x9  }
0xb1: {  	_ =	task.clear_ibuf [dreg:s7], $0x5FFFF;
	_ =	strace $0x90000046  }
0xb2: {  	s29 =	simm.s32 $0x9;
	_ =	strace $0x80000048  }
0xb3: {  	_ =	swait.ge [sflag:s29], $0x1  }
0xb4: {  	[sflag:s29] =	ssyncadd.s32 $0xFFFFFFFF  }
0xb5: {  	_ =	strace $0x90000048  }
0xb6: {  	_ =	sfence  }
0xb7: {  	s30 =	sld [smem:$0x0];
	_ =	sdelay $0x2  }
0xb8: {  	s31 =	sshll.u32 s1, $0xD;
	s1 =	sshrl.u32 s1, $0x2  }
0xb9: {  	s3 =	sand.u32 $0x4000, s31;
	s1 =	sadd.s32 s1, s30  }
0xba: {  	s0 =	sor.u32 s3, s0;
	s1 =	sshll.u32 s1, $0x11  }
0xbb: {  	s0 =	sor.u32 s1, s0  }
0xbc: {  	s0 =	sadd.s32 $0x8F2B, s0  }
0xbd: {  	[sflag:s0] =	ssyncadd.remote.s32 $0x1  }
0xbe: {  	_ =	sfence.sel $0xFFFF  }
0xbf: {  	[dreg:$0x0] =	wrdreg $0xFFFFFFFF;
	(pc) =	sbr.abs _section_cstart, $3  }
0xc0: {  	[dreg:$0x1] =	wrdreg $0xFFFFFFFF  }
0xc1: {  	_ =	task.clear_ibuf [dreg:s7], $0x2FFFF;
	_ =	strace $0x9FFFFFFF  }
0xc2: {  	(tm) =	ssettm $0x7FFFFFFF  }
0xc3: {  	_ =	shalt  }
tec
execute0_lowered:
.L_overlay_start_1:
0x0: {  	(tag) =	ssettag $0x1  }
0x1: {  	s0 =	rddreg [dreg:$0x0]  }
0x2: {  	s1 =	rddreg [dreg:$0x1];
	s2 =	srdreg.scid  }
0x3: {  	s9 =	stileid.u32;
	s21 =	simm.s32 $0x1A00;
	s28 =	simm.s32 $0x3200  }
0x4: {  	s29 =	simm.s32 $0x3A00;
	s30 =	simm.s32 $0x4200;
	s11 =	simm.s32 $0x7A00  }
0x5: {  	s10 =	simm.s32 $0x8200;
	s12 =	simm.s32 $0x8A00;
	s13 =	simm.s32 $0x9200  }
0x6: {  	s14 =	simm.s32 $0x9A00;
	s15 =	simm.s32 $0xA200;
	s16 =	simm.s32 $0x1  }
0x7: {  	s17 =	simm.s32 $0x3;
	s18 =	simm.s32 $0x2;
	s19 =	simm.s32 $0x4  }
0x8: {  	s20 =	simm.s32 $0x0;
	s4 =	sand.u32 $0x1, s2;
	s2 =	simm.s32 $0x0  }
0x9: {  	s3 =	sshll.u32 s9, $0xA;
	s24 =	sshll.u32 s9, $0x10;
	s9 =	simm.s32 $0x7200  }
0xa: {  	s5 =	sshll.u32 s4, $0x9;
	[smem:$0x7FF] =	sst s2;
	s7 =	ssub.s32 $0x2, s4  }
0xb: {  	s26 =	sshll.u32 s4, $0xF;
	s4 =	simm.s32 $0x5A00;
	s5 =	sor.u32 s5, s3  }
0xc: {  	_ =	strace $0x80000047;
	s3 =	sadd.s32 $0x1800, s0;
	s8 =	sshrl.u32 s7, $0x1  }
0xd: {  	[dreg:$0x6] =	wrdreg s20;
	s6 =	sshrl.u32 s5, $0x3;
	s7 =	ssub.s32 s7, s8  }
0xe: {  	s22 =	sshll.u32 s5, $0x6;
	s5 =	sadd.s32 $0x1900, s0;
	s8 =	simm.s32 $0xAA00  }
0xf: {  	s6 =	sadd.s32 s6, s0;
	s23 =	sadd.s32 s1, s22;
	s25 =	smax.u32 s7, $0x1  }
0x10: {  	s0 =	sadd.s32 s24, s1;
	s22 =	simm.s32 $0xA00;
	s24 =	simm.s32 $0x2200  }
0x11: {  	s1 =	simm.s32 $0x5200;
	s7 =	simm.s32 $0x6A00;
	[dreg:$0x4] =	wrdreg s23  }
0x12: {  	v2 =	vlaneseq.u32;
	s6 =	sadd.s32 $0x1000, s6;
	[dreg:$0x5] =	wrdreg s25;
	s31 =	sadd.s32 s26, s0  }
0x13: {  	vm0 =	vmmov $0xffff;
	v1 =	vshrl.u32 v2, $0x3;
	s26 =	simm.s32 $0x200;
	s23 =	simm.s32 $0x1200;
	s25 =	simm.s32 $0x2A00  }
0x14: {  	v0 =	vand.u32 $0x7, v2;
	v2 =	vor.u32 $0x8, v2;
	v1 =	vmul.u32 $0x8, v1;
	s0 =	simm.s32 $0x4A00;
	[dreg:$0x3] =	wrdreg s6;
	s6 =	simm.s32 $0x6200  }
.LBB2_1:
0x15: {  	s20 =	rddreg [dreg:$0x3]  }
0x16: {  	[tilespmem:s2], [sflag:$0x5] =	stream.linear.gather [hbm4b:s20+s2], $0x200, $0x38;
	[tilespmem:$0x10200] =	vst v63  }
0x17: {  	s20 =	simm.s32 $0x5  }
0x18: {  	_ =	swait.ge [sflag:s20], $0x200  }
0x19: {  	[sflag:s20] =	ssyncset.done $0x0  }
0x1a: {  	[sflag:s20] =	ssyncadd.s32 $0xFFFFFE00  }
0x1b: {  	v3 =	vld [tilespmem:$0x0];
	_ =	sdelay $0x4  }
0x1c: {  	v4 =	vshll.u32 v3, $0x2  }
0x1d: {  	v3 =	vand.u32 $0x7, v3;
	v4 =	vand.u32 $0xFFFFFFE0, v4  }
0x1e: {  	v3 =	vor.u32 v3, v4  }
0x1f: {  	v4 =	vperm.xlane v3, v0;
	_ =	sdelay $0x1  }
0x20: {  	v4 =	vadd.s32 v1, v4;
	_ =	sdelay $0x1  }
0x21: {  	v3 =	vperm.xlane v3, v2;
	_ =	sdelay $0x1  }
0x22: {  	v3 =	vadd.s32 v1, v3  }
0x23: {  	[tilespmem:s26], [sflag:$0x1] =	stream.indirect_vreg.gather [hbm4b:s3+s2], $0x80, v4, vm0, $0xb8;
	[tilespmem:$0x10200] =	vst v63  }
0x24: {  	_ = 	snop  }
0x25: {  	[tilespmem:s22], [sflag:$0x1] =	stream.indirect_vreg.gather [hbm4b:s5+s2], $0x80, v4, vm0, $0xb8;
	[tilespmem:$0x10200] =	vst v63  }
0x26: {  	_ = 	snop  }
0x27: {  	[tilespmem:s23], [sflag:$0x1] =	stream.indirect_vreg.gather [hbm4b:s3+s2], $0x80, v3, vm0, $0xb8;
	[tilespmem:$0x10200] =	vst v63  }
0x28: {  	_ = 	snop  }
0x29: {  	[tilespmem:s21], [sflag:$0x1] =	stream.indirect_vreg.gather [hbm4b:s5+s2], $0x80, v3, vm0, $0xb8;
	[tilespmem:$0x10200] =	vst v63  }
0x2a: {  	v3 =	vld [tilespmem:$0x10];
	_ =	sdelay $0x4  }
0x2b: {  	v57 =	vshll.u32 v3, $0x2  }
0x2c: {  	v3 =	vand.u32 $0x7, v3;
	v4 =	vand.u32 $0xFFFFFFE0, v57  }
0x2d: {  	v3 =	vor.u32 v3, v4  }
0x2e: {  	v4 =	vperm.xlane v3, v0;
	_ =	sdelay $0x1  }
0x2f: {  	v4 =	vadd.s32 v1, v4;
	_ =	sdelay $0x1  }
0x30: {  	v3 =	vperm.xlane v3, v2;
	_ =	sdelay $0x1  }
0x31: {  	v3 =	vadd.s32 v1, v3  }
0x32: {  	[tilespmem:s24], [sflag:$0x1] =	stream.indirect_vreg.gather [hbm4b:s3+s2], $0x80, v4, vm0, $0xb8;
	[tilespmem:$0x10200] =	vst v63  }
0x33: {  	_ = 	snop  }
0x34: {  	[tilespmem:s25], [sflag:$0x1] =	stream.indirect_vreg.gather [hbm4b:s5+s2], $0x80, v4, vm0, $0xb8;
	[tilespmem:$0x10200] =	vst v63  }
0x35: {  	_ = 	snop  }
0x36: {  	[tilespmem:s28], [sflag:$0x1] =	stream.indirect_vreg.gather [hbm4b:s3+s2], $0x80, v3, vm0, $0xb8;
	[tilespmem:$0x10200] =	vst v63  }
0x37: {  	_ = 	snop  }
0x38: {  	[tilespmem:s29], [sflag:$0x1] =	stream.indirect_vreg.gather [hbm4b:s5+s2], $0x80, v3, vm0, $0xb8;
	[tilespmem:$0x10200] =	vst v63  }
0x39: {  	v3 =	vld [tilespmem:$0x20];
	_ =	sdelay $0x4  }
0x3a: {  	v58 =	vshll.u32 v3, $0x2  }
0x3b: {  	v3 =	vand.u32 $0x7, v3;
	v4 =	vand.u32 $0xFFFFFFE0, v58  }
0x3c: {  	v3 =	vor.u32 v3, v4  }
0x3d: {  	v4 =	vperm.xlane v3, v0;
	_ =	sdelay $0x1  }
0x3e: {  	v4 =	vadd.s32 v1, v4;
	_ =	sdelay $0x1  }
0x3f: {  	v3 =	vperm.xlane v3, v2;
	_ =	sdelay $0x1  }
0x40: {  	v3 =	vadd.s32 v1, v3  }
0x41: {  	[tilespmem:s30], [sflag:$0x1] =	stream.indirect_vreg.gather [hbm4b:s3+s2], $0x80, v4, vm0, $0xb8;
	[tilespmem:$0x10200] =	vst v63  }
0x42: {  	_ = 	snop  }
0x43: {  	[tilespmem:s0], [sflag:$0x1] =	stream.indirect_vreg.gather [hbm4b:s5+s2], $0x80, v4, vm0, $0xb8;
	[tilespmem:$0x10200] =	vst v63  }
0x44: {  	_ = 	snop  }
0x45: {  	[tilespmem:s1], [sflag:$0x1] =	stream.indirect_vreg.gather [hbm4b:s3+s2], $0x80, v3, vm0, $0xb8;
	[tilespmem:$0x10200] =	vst v63  }
0x46: {  	_ = 	snop  }
0x47: {  	[tilespmem:s4], [sflag:$0x1] =	stream.indirect_vreg.gather [hbm4b:s5+s2], $0x80, v3, vm0, $0xb8;
	[tilespmem:$0x10200] =	vst v63  }
0x48: {  	v3 =	vld [tilespmem:$0x30];
	_ =	sdelay $0x4  }
0x49: {  	v59 =	vshll.u32 v3, $0x2  }
0x4a: {  	v3 =	vand.u32 $0x7, v3;
	v4 =	vand.u32 $0xFFFFFFE0, v59  }
0x4b: {  	v3 =	vor.u32 v3, v4  }
0x4c: {  	v4 =	vperm.xlane v3, v0;
	_ =	sdelay $0x1  }
0x4d: {  	v4 =	vadd.s32 v1, v4;
	_ =	sdelay $0x1  }
0x4e: {  	v3 =	vperm.xlane v3, v2;
	_ =	sdelay $0x1  }
0x4f: {  	v3 =	vadd.s32 v1, v3  }
0x50: {  	[tilespmem:s6], [sflag:$0x1] =	stream.indirect_vreg.gather [hbm4b:s3+s2], $0x80, v4, vm0, $0xb8;
	[tilespmem:$0x10200] =	vst v63  }
0x51: {  	_ = 	snop  }
0x52: {  	[tilespmem:s7], [sflag:$0x1] =	stream.indirect_vreg.gather [hbm4b:s5+s2], $0x80, v4, vm0, $0xb8;
	[tilespmem:$0x10200] =	vst v63  }
0x53: {  	_ = 	snop  }
0x54: {  	[tilespmem:s9], [sflag:$0x1] =	stream.indirect_vreg.gather [hbm4b:s3+s2], $0x80, v3, vm0, $0xb8;
	[tilespmem:$0x10200] =	vst v63  }
0x55: {  	_ = 	snop  }
0x56: {  	[tilespmem:s11], [sflag:$0x1] =	stream.indirect_vreg.gather [hbm4b:s5+s2], $0x80, v3, vm0, $0xb8;
	[tilespmem:$0x10200] =	vst v63  }
0x57: {  	v3 =	vld [tilespmem:$0x40];
	_ =	sdelay $0x4  }
0x58: {  	v60 =	vshll.u32 v3, $0x2  }
0x59: {  	v3 =	vand.u32 $0x7, v3;
	v4 =	vand.u32 $0xFFFFFFE0, v60  }
0x5a: {  	v3 =	vor.u32 v3, v4  }
0x5b: {  	v4 =	vperm.xlane v3, v0;
	_ =	sdelay $0x1  }
0x5c: {  	v4 =	vadd.s32 v1, v4;
	_ =	sdelay $0x1  }
0x5d: {  	v3 =	vperm.xlane v3, v2;
	_ =	sdelay $0x1  }
0x5e: {  	v3 =	vadd.s32 v1, v3  }
0x5f: {  	[tilespmem:s10], [sflag:$0x2] =	stream.indirect_vreg.gather [hbm4b:s3+s2], $0x80, v4, vm0, $0xb8;
	[tilespmem:$0x10200] =	vst v63  }
0x60: {  	_ = 	snop  }
0x61: {  	[tilespmem:s12], [sflag:$0x2] =	stream.indirect_vreg.gather [hbm4b:s5+s2], $0x80, v4, vm0, $0xb8;
	[tilespmem:$0x10200] =	vst v63  }
0x62: {  	_ = 	snop  }
0x63: {  	[tilespmem:s13], [sflag:$0x2] =	stream.indirect_vreg.gather [hbm4b:s3+s2], $0x80, v3, vm0, $0xb8;
	[tilespmem:$0x10200] =	vst v63  }
0x64: {  	_ = 	snop  }
0x65: {  	[tilespmem:s14], [sflag:$0x2] =	stream.indirect_vreg.gather [hbm4b:s5+s2], $0x80, v3, vm0, $0xb8;
	[tilespmem:$0x10200] =	vst v63  }
0x66: {  	v3 =	vld [tilespmem:$0x50];
	_ =	sdelay $0x4  }
0x67: {  	v61 =	vshll.u32 v3, $0x2  }
0x68: {  	v3 =	vand.u32 $0x7, v3;
	v4 =	vand.u32 $0xFFFFFFE0, v61  }
0x69: {  	v3 =	vor.u32 v3, v4  }
0x6a: {  	v4 =	vperm.xlane v3, v0;
	_ =	sdelay $0x1  }
0x6b: {  	v4 =	vadd.s32 v1, v4;
	_ =	sdelay $0x1  }
0x6c: {  	v3 =	vperm.xlane v3, v2;
	_ =	sdelay $0x1  }
0x6d: {  	v3 =	vadd.s32 v1, v3  }
0x6e: {  	[tilespmem:s15], [sflag:$0x2] =	stream.indirect_vreg.gather [hbm4b:s3+s2], $0x80, v4, vm0, $0xb8;
	[tilespmem:$0x10200] =	vst v63  }
0x6f: {  	_ = 	snop  }
0x70: {  	[tilespmem:s8], [sflag:$0x2] =	stream.indirect_vreg.gather [hbm4b:s5+s2], $0x80, v4, vm0, $0xb8;
	[tilespmem:$0x10200] =	vst v63  }
0x71: {  	s9 =	simm.s32 $0xB200  }
0x72: {  	[tilespmem:s9], [sflag:$0x2] =	stream.indirect_vreg.gather [hbm4b:s3+s2], $0x80, v3, vm0, $0xb8;
	[tilespmem:$0x10200] =	vst v63  }
0x73: {  	s10 =	simm.s32 $0xBA00  }
0x74: {  	[tilespmem:s10], [sflag:$0x2] =	stream.indirect_vreg.gather [hbm4b:s5+s2], $0x80, v3, vm0, $0xb8;
	[tilespmem:$0x10200] =	vst v63  }
0x75: {  	v3 =	vld [tilespmem:$0x60];
	_ =	sdelay $0x4  }
0x76: {  	v62 =	vshll.u32 v3, $0x2  }
0x77: {  	v3 =	vand.u32 $0x7, v3;
	v4 =	vand.u32 $0xFFFFFFE0, v62  }
0x78: {  	v3 =	vor.u32 v3, v4  }
0x79: {  	v4 =	vperm.xlane v3, v0;
	_ =	sdelay $0x1  }
0x7a: {  	v4 =	vadd.s32 v1, v4;
	_ =	sdelay $0x1  }
0x7b: {  	v3 =	vperm.xlane v3, v2;
	_ =	sdelay $0x1  }
0x7c: {  	s11 =	simm.s32 $0xC200;
	v3 =	vadd.s32 v1, v3  }
0x7d: {  	[tilespmem:s11], [sflag:$0x2] =	stream.indirect_vreg.gather [hbm4b:s3+s2], $0x80, v4, vm0, $0xb8;
	[tilespmem:$0x10200] =	vst v63  }
0x7e: {  	s12 =	simm.s32 $0xCA00  }
0x7f: {  	[tilespmem:s12], [sflag:$0x2] =	stream.indirect_vreg.gather [hbm4b:s5+s2], $0x80, v4, vm0, $0xb8;
	[tilespmem:$0x10200] =	vst v63  }
0x80: {  	s13 =	simm.s32 $0xD200  }
0x81: {  	[tilespmem:s13], [sflag:$0x2] =	stream.indirect_vreg.gather [hbm4b:s3+s2], $0x80, v3, vm0, $0xb8;
	[tilespmem:$0x10200] =	vst v63  }
0x82: {  	s14 =	simm.s32 $0xDA00  }
0x83: {  	[tilespmem:s14], [sflag:$0x2] =	stream.indirect_vreg.gather [hbm4b:s5+s2], $0x80, v3, vm0, $0xb8;
	[tilespmem:$0x10200] =	vst v63  }
0x84: {  	v3 =	vld [tilespmem:$0x70];
	_ =	sdelay $0x4  }
0x85: {  	v63 =	vshll.u32 v3, $0x2  }
0x86: {  	v3 =	vand.u32 $0x7, v3;
	v4 =	vand.u32 $0xFFFFFFE0, v63  }
0x87: {  	v3 =	vor.u32 v3, v4  }
0x88: {  	v4 =	vperm.xlane v3, v0;
	_ =	sdelay $0x1  }
0x89: {  	v4 =	vadd.s32 v1, v4;
	_ =	sdelay $0x1  }
0x8a: {  	v3 =	vperm.xlane v3, v2  }
0x8b: {  	s20 =	simm.s32 $0xEA00;
	s21 =	simm.s32 $0xF200;
	s24 =	simm.s32 $0xFA00  }
0x8c: {  	s28 =	simm.s32 $0x2A00;
	s29 =	simm.s32 $0x3200;
	s15 =	simm.s32 $0xE200;
	v3 =	vadd.s32 v1, v3  }
0x8d: {  	[tilespmem:s15], [sflag:$0x2] =	stream.indirect_vreg.gather [hbm4b:s3+s2], $0x80, v4, vm0, $0xb8;
	[tilespmem:$0x10200] =	vst v63  }
0x8e: {  	s30 =	simm.s32 $0x3A00;
	s0 =	simm.s32 $0x4A00;
	s1 =	simm.s32 $0x5200  }
0x8f: {  	[tilespmem:s20], [sflag:$0x2] =	stream.indirect_vreg.gather [hbm4b:s5+s2], $0x80, v4, vm0, $0xb8;
	[tilespmem:$0x10200] =	vst v63  }
0x90: {  	s4 =	simm.s32 $0x5A00;
	s6 =	simm.s32 $0x6200;
	s7 =	simm.s32 $0x6A00  }
0x91: {  	[tilespmem:s21], [sflag:$0x2] =	stream.indirect_vreg.gather [hbm4b:s3+s2], $0x80, v3, vm0, $0xb8;
	[tilespmem:$0x10200] =	vst v63  }
0x92: {  	s8 =	simm.s32 $0xAA00;
	s9 =	simm.s32 $0x7200;
	s11 =	simm.s32 $0x7A00  }
0x93: {  	[tilespmem:s24], [sflag:$0x2] =	stream.indirect_vreg.gather [hbm4b:s5+s2], $0x80, v3, vm0, $0xb8;
	[tilespmem:$0x10200] =	vst v63  }
0x94: {  	s12 =	simm.s32 $0x8A00;
	s13 =	simm.s32 $0x9200;
	_ =	swait.ge [sflag:s16], $0x8000  }
0x95: {  	s14 =	simm.s32 $0x9A00;
	s15 =	simm.s32 $0xA200;
	[sflag:s16] =	ssyncset.done $0x0  }
0x96: {  	s20 =	simm.s32 $0xFFFFA000;
	s25 =	rddreg [dreg:$0x4];
	[sflag:s16] =	ssyncadd.s32 $0xFFFF8000  }
0x97: {  	[hbm4b:s25+s2] =	stream.linear.scatter [tilespmem:s26], [sflag:$0x3], $0x8000, $0x38;
	[tilespmem:$0x10200] =	vst v63  }
0x98: {  	s21 =	simm.s32 $0xF0;
	s24 =	simm.s32 $0x1A00;
	s26 =	simm.s32 $0x200  }
.LBB2_2:
0x99: {  	_ =	swait.ge [sflag:s17], $0x8000  }
0x9a: {  	[sflag:s17] =	ssyncset.done $0x0  }
0x9b: {  	[sflag:s17] =	ssyncadd.s32 $0xFFFF8000  }
0x9c: {  	v3 =	vld [tilespmem:s21+$0xFFFFFF90];
	_ =	sdelay $0x4  }
0x9d: {  	v4 =	vshll.u32 v3, $0x2  }
0x9e: {  	v3 =	vand.u32 $0x7, v3;
	v4 =	vand.u32 $0xFFFFFFE0, v4  }
0x9f: {  	v3 =	vor.u32 v3, v4  }
0xa0: {  	v4 =	vperm.xlane v3, v0;
	_ =	sdelay $0x1  }
0xa1: {  	v4 =	vadd.s32 v1, v4;
	_ =	sdelay $0x1  }
0xa2: {  	v3 =	vperm.xlane v3, v2;
	_ =	sdelay $0x1  }
0xa3: {  	v3 =	vadd.s32 v1, v3  }
0xa4: {  	[tilespmem:s26], [sflag:$0x1] =	stream.indirect_vreg.gather [hbm4b:s3+s2], $0x80, v4, vm0, $0xb8;
	[tilespmem:$0x10200] =	vst v63  }
0xa5: {  	_ = 	snop  }
0xa6: {  	[tilespmem:s22], [sflag:$0x1] =	stream.indirect_vreg.gather [hbm4b:s5+s2], $0x80, v4, vm0, $0xb8;
	[tilespmem:$0x10200] =	vst v63  }
0xa7: {  	_ = 	snop  }
0xa8: {  	[tilespmem:s23], [sflag:$0x1] =	stream.indirect_vreg.gather [hbm4b:s3+s2], $0x80, v3, vm0, $0xb8;
	[tilespmem:$0x10200] =	vst v63  }
0xa9: {  	_ = 	snop  }
0xaa: {  	[tilespmem:s24], [sflag:$0x1] =	stream.indirect_vreg.gather [hbm4b:s5+s2], $0x80, v3, vm0, $0xb8;
	[tilespmem:$0x10200] =	vst v63  }
0xab: {  	v3 =	vld [tilespmem:s21+$0xFFFFFFA0];
	_ =	sdelay $0x4  }
0xac: {  	v57 =	vshll.u32 v3, $0x2  }
0xad: {  	v3 =	vand.u32 $0x7, v3;
	v4 =	vand.u32 $0xFFFFFFE0, v57  }
0xae: {  	v3 =	vor.u32 v3, v4  }
0xaf: {  	v4 =	vperm.xlane v3, v0;
	_ =	sdelay $0x1  }
0xb0: {  	v4 =	vadd.s32 v1, v4;
	_ =	sdelay $0x1  }
0xb1: {  	v3 =	vperm.xlane v3, v2;
	_ =	sdelay $0x1  }
0xb2: {  	s10 =	simm.s32 $0x2200;
	v3 =	vadd.s32 v1, v3  }
0xb3: {  	[tilespmem:s10], [sflag:$0x1] =	stream.indirect_vreg.gather [hbm4b:s3+s2], $0x80, v4, vm0, $0xb8;
	[tilespmem:$0x10200] =	vst v63  }
0xb4: {  	_ = 	snop  }
0xb5: {  	[tilespmem:s28], [sflag:$0x1] =	stream.indirect_vreg.gather [hbm4b:s5+s2], $0x80, v4, vm0, $0xb8;
	[tilespmem:$0x10200] =	vst v63  }
0xb6: {  	_ = 	snop  }
0xb7: {  	[tilespmem:s29], [sflag:$0x1] =	stream.indirect_vreg.gather [hbm4b:s3+s2], $0x80, v3, vm0, $0xb8;
	[tilespmem:$0x10200] =	vst v63  }
0xb8: {  	_ = 	snop  }
0xb9: {  	[tilespmem:s30], [sflag:$0x1] =	stream.indirect_vreg.gather [hbm4b:s5+s2], $0x80, v3, vm0, $0xb8;
	[tilespmem:$0x10200] =	vst v63  }
0xba: {  	v3 =	vld [tilespmem:s21+$0xFFFFFFB0];
	_ =	sdelay $0x4  }
0xbb: {  	v58 =	vshll.u32 v3, $0x2  }
0xbc: {  	v3 =	vand.u32 $0x7, v3;
	v4 =	vand.u32 $0xFFFFFFE0, v58  }
0xbd: {  	v3 =	vor.u32 v3, v4  }
0xbe: {  	v4 =	vperm.xlane v3, v0;
	_ =	sdelay $0x1  }
0xbf: {  	v4 =	vadd.s32 v1, v4;
	_ =	sdelay $0x1  }
0xc0: {  	v3 =	vperm.xlane v3, v2;
	_ =	sdelay $0x1  }
0xc1: {  	s25 =	simm.s32 $0x4200;
	v3 =	vadd.s32 v1, v3  }
0xc2: {  	[tilespmem:s25], [sflag:$0x1] =	stream.indirect_vreg.gather [hbm4b:s3+s2], $0x80, v4, vm0, $0xb8;
	[tilespmem:$0x10200] =	vst v63  }
0xc3: {  	_ = 	snop  }
0xc4: {  	[tilespmem:s0], [sflag:$0x1] =	stream.indirect_vreg.gather [hbm4b:s5+s2], $0x80, v4, vm0, $0xb8;
	[tilespmem:$0x10200] =	vst v63  }
0xc5: {  	_ = 	snop  }
0xc6: {  	[tilespmem:s1], [sflag:$0x1] =	stream.indirect_vreg.gather [hbm4b:s3+s2], $0x80, v3, vm0, $0xb8;
	[tilespmem:$0x10200] =	vst v63  }
0xc7: {  	_ = 	snop  }
0xc8: {  	[tilespmem:s4], [sflag:$0x1] =	stream.indirect_vreg.gather [hbm4b:s5+s2], $0x80, v3, vm0, $0xb8;
	[tilespmem:$0x10200] =	vst v63  }
0xc9: {  	v3 =	vld [tilespmem:s21+$0xFFFFFFC0];
	_ =	sdelay $0x4  }
0xca: {  	v59 =	vshll.u32 v3, $0x2  }
0xcb: {  	v3 =	vand.u32 $0x7, v3;
	v4 =	vand.u32 $0xFFFFFFE0, v59  }
0xcc: {  	v3 =	vor.u32 v3, v4  }
0xcd: {  	v4 =	vperm.xlane v3, v0;
	_ =	sdelay $0x1  }
0xce: {  	v4 =	vadd.s32 v1, v4;
	_ =	sdelay $0x1  }
0xcf: {  	v3 =	vperm.xlane v3, v2;
	_ =	sdelay $0x1  }
0xd0: {  	v3 =	vadd.s32 v1, v3  }
0xd1: {  	[tilespmem:s6], [sflag:$0x1] =	stream.indirect_vreg.gather [hbm4b:s3+s2], $0x80, v4, vm0, $0xb8;
	[tilespmem:$0x10200] =	vst v63  }
0xd2: {  	_ = 	snop  }
0xd3: {  	[tilespmem:s7], [sflag:$0x1] =	stream.indirect_vreg.gather [hbm4b:s5+s2], $0x80, v4, vm0, $0xb8;
	[tilespmem:$0x10200] =	vst v63  }
0xd4: {  	_ = 	snop  }
0xd5: {  	[tilespmem:s9], [sflag:$0x1] =	stream.indirect_vreg.gather [hbm4b:s3+s2], $0x80, v3, vm0, $0xb8;
	[tilespmem:$0x10200] =	vst v63  }
0xd6: {  	_ = 	snop  }
0xd7: {  	[tilespmem:s11], [sflag:$0x1] =	stream.indirect_vreg.gather [hbm4b:s5+s2], $0x80, v3, vm0, $0xb8;
	[tilespmem:$0x10200] =	vst v63  }
0xd8: {  	_ =	swait.ge [sflag:s18], $0x8000  }
0xd9: {  	s22 =	sadd.s32 s20, s31;
	[sflag:s18] =	ssyncset.done $0x0  }
0xda: {  	s10 =	sadd.s32 $0x7000, s22;
	s25 =	simm.s32 $0x8200;
	[sflag:s18] =	ssyncadd.s32 $0xFFFF8000  }
0xdb: {  	[hbm4b:s10+s2] =	stream.linear.scatter [tilespmem:s25], [sflag:$0x4], $0x8000, $0x38;
	[tilespmem:$0x10200] =	vst v63  }
0xdc: {  	_ =	swait.ge [sflag:s19], $0x8000  }
0xdd: {  	[sflag:s19] =	ssyncset.done $0x0  }
0xde: {  	[sflag:s19] =	ssyncadd.s32 $0xFFFF8000  }
0xdf: {  	v3 =	vld [tilespmem:s21+$0xFFFFFFD0];
	_ =	sdelay $0x4  }
0xe0: {  	v60 =	vshll.u32 v3, $0x2  }
0xe1: {  	v3 =	vand.u32 $0x7, v3;
	v4 =	vand.u32 $0xFFFFFFE0, v60  }
0xe2: {  	v3 =	vor.u32 v3, v4  }
0xe3: {  	v4 =	vperm.xlane v3, v0;
	_ =	sdelay $0x1  }
0xe4: {  	v4 =	vadd.s32 v1, v4;
	_ =	sdelay $0x1  }
0xe5: {  	v3 =	vperm.xlane v3, v2;
	_ =	sdelay $0x1  }
0xe6: {  	v3 =	vadd.s32 v1, v3  }
0xe7: {  	[tilespmem:s25], [sflag:$0x2] =	stream.indirect_vreg.gather [hbm4b:s3+s2], $0x80, v4, vm0, $0xb8;
	[tilespmem:$0x10200] =	vst v63  }
0xe8: {  	_ = 	snop  }
0xe9: {  	[tilespmem:s12], [sflag:$0x2] =	stream.indirect_vreg.gather [hbm4b:s5+s2], $0x80, v4, vm0, $0xb8;
	[tilespmem:$0x10200] =	vst v63  }
0xea: {  	_ = 	snop  }
0xeb: {  	[tilespmem:s13], [sflag:$0x2] =	stream.indirect_vreg.gather [hbm4b:s3+s2], $0x80, v3, vm0, $0xb8;
	[tilespmem:$0x10200] =	vst v63  }
0xec: {  	_ = 	snop  }
0xed: {  	[tilespmem:s14], [sflag:$0x2] =	stream.indirect_vreg.gather [hbm4b:s5+s2], $0x80, v3, vm0, $0xb8;
	[tilespmem:$0x10200] =	vst v63  }
0xee: {  	v3 =	vld [tilespmem:s21+$0xFFFFFFE0];
	_ =	sdelay $0x4  }
0xef: {  	v61 =	vshll.u32 v3, $0x2  }
0xf0: {  	v3 =	vand.u32 $0x7, v3;
	v4 =	vand.u32 $0xFFFFFFE0, v61  }
0xf1: {  	v3 =	vor.u32 v3, v4  }
0xf2: {  	v4 =	vperm.xlane v3, v0;
	_ =	sdelay $0x1  }
0xf3: {  	v4 =	vadd.s32 v1, v4;
	_ =	sdelay $0x1  }
0xf4: {  	v3 =	vperm.xlane v3, v2;
	_ =	sdelay $0x1  }
0xf5: {  	v3 =	vadd.s32 v1, v3  }
0xf6: {  	[tilespmem:s15], [sflag:$0x2] =	stream.indirect_vreg.gather [hbm4b:s3+s2], $0x80, v4, vm0, $0xb8;
	[tilespmem:$0x10200] =	vst v63  }
0xf7: {  	_ = 	snop  }
0xf8: {  	[tilespmem:s8], [sflag:$0x2] =	stream.indirect_vreg.gather [hbm4b:s5+s2], $0x80, v4, vm0, $0xb8;
	[tilespmem:$0x10200] =	vst v63  }
0xf9: {  	s25 =	simm.s32 $0xB200  }
0xfa: {  	[tilespmem:s25], [sflag:$0x2] =	stream.indirect_vreg.gather [hbm4b:s3+s2], $0x80, v3, vm0, $0xb8;
	[tilespmem:$0x10200] =	vst v63  }
0xfb: {  	s25 =	simm.s32 $0xBA00  }
0xfc: {  	[tilespmem:s25], [sflag:$0x2] =	stream.indirect_vreg.gather [hbm4b:s5+s2], $0x80, v3, vm0, $0xb8;
	[tilespmem:$0x10200] =	vst v63  }
0xfd: {  	v3 =	vld [tilespmem:s21+$0xFFFFFFF0];
	_ =	sdelay $0x4  }
0xfe: {  	v62 =	vshll.u32 v3, $0x2  }
0xff: {  	v3 =	vand.u32 $0x7, v3;
	v4 =	vand.u32 $0xFFFFFFE0, v62  }
0x100: {  	v3 =	vor.u32 v3, v4  }
0x101: {  	v4 =	vperm.xlane v3, v0;
	_ =	sdelay $0x1  }
0x102: {  	v4 =	vadd.s32 v1, v4;
	_ =	sdelay $0x1  }
0x103: {  	v3 =	vperm.xlane v3, v2;
	_ =	sdelay $0x1  }
0x104: {  	s25 =	simm.s32 $0xC200;
	v3 =	vadd.s32 v1, v3  }
0x105: {  	[tilespmem:s25], [sflag:$0x2] =	stream.indirect_vreg.gather [hbm4b:s3+s2], $0x80, v4, vm0, $0xb8;
	[tilespmem:$0x10200] =	vst v63  }
0x106: {  	s25 =	simm.s32 $0xCA00  }
0x107: {  	[tilespmem:s25], [sflag:$0x2] =	stream.indirect_vreg.gather [hbm4b:s5+s2], $0x80, v4, vm0, $0xb8;
	[tilespmem:$0x10200] =	vst v63  }
0x108: {  	s25 =	simm.s32 $0xD200  }
0x109: {  	[tilespmem:s25], [sflag:$0x2] =	stream.indirect_vreg.gather [hbm4b:s3+s2], $0x80, v3, vm0, $0xb8;
	[tilespmem:$0x10200] =	vst v63  }
0x10a: {  	s25 =	simm.s32 $0xDA00  }
0x10b: {  	[tilespmem:s25], [sflag:$0x2] =	stream.indirect_vreg.gather [hbm4b:s5+s2], $0x80, v3, vm0, $0xb8;
	[tilespmem:$0x10200] =	vst v63  }
0x10c: {  	v3 =	vld [tilespmem:s21+$0x0];
	_ =	sdelay $0x4  }
0x10d: {  	v63 =	vshll.u32 v3, $0x2  }
0x10e: {  	v3 =	vand.u32 $0x7, v3;
	v4 =	vand.u32 $0xFFFFFFE0, v63  }
0x10f: {  	v3 =	vor.u32 v3, v4  }
0x110: {  	v4 =	vperm.xlane v3, v0;
	_ =	sdelay $0x1  }
0x111: {  	v4 =	vadd.s32 v1, v4;
	_ =	sdelay $0x1  }
0x112: {  	v3 =	vperm.xlane v3, v2;
	_ =	sdelay $0x1  }
0x113: {  	s25 =	simm.s32 $0xE200;
	v3 =	vadd.s32 v1, v3  }
0x114: {  	[tilespmem:s25], [sflag:$0x2] =	stream.indirect_vreg.gather [hbm4b:s3+s2], $0x80, v4, vm0, $0xb8;
	[tilespmem:$0x10200] =	vst v63  }
0x115: {  	s25 =	simm.s32 $0xEA00  }
0x116: {  	[tilespmem:s25], [sflag:$0x2] =	stream.indirect_vreg.gather [hbm4b:s5+s2], $0x80, v4, vm0, $0xb8;
	[tilespmem:$0x10200] =	vst v63  }
0x117: {  	s20 =	sadd.s32 $0x2000, s20;
	s25 =	simm.s32 $0xF200  }
0x118: {  	[tilespmem:s25], [sflag:$0x2] =	stream.indirect_vreg.gather [hbm4b:s3+s2], $0x80, v3, vm0, $0xb8;
	[tilespmem:$0x10200] =	vst v63  }
0x119: {  	p0 =	sne.s32 s20, $0x0;
	s25 =	simm.s32 $0xFA00  }
0x11a: {  	[tilespmem:s25], [sflag:$0x2] =	stream.indirect_vreg.gather [hbm4b:s5+s2], $0x80, v3, vm0, $0xb8;
	[tilespmem:$0x10200] =	vst v63  }
.Ltmp0:
0x11b: {  	_ =	swait.ge [sflag:s16], $0x8000;
	(pc) =	sbr.rel @p0 .LBB2_2-.Ltmp0, $4  }
0x11c: {  	[sflag:s16] =	ssyncset.done $0x0  }
0x11d: {  	s23 =	simm.s32 $0x1200;
	s22 =	sadd.s32 $0x8000, s22;
	[sflag:s16] =	ssyncadd.s32 $0xFFFF8000  }
0x11e: {  	[hbm4b:s22+s2] =	stream.linear.scatter [tilespmem:s26], [sflag:$0x3], $0x8000, $0x38;
	[tilespmem:$0x10200] =	vst v63  }
0x11f: {  	s10 =	simm.s32 $0x8200;
	s21 =	sadd.s32 $0x80, s21;
	s22 =	simm.s32 $0xA00  }
0x120: {  	_ =	swait.ge [sflag:s18], $0x8000  }
0x121: {  	s20 =	sadd.s32 s20, s31;
	[sflag:s18] =	ssyncset.done $0x0  }
0x122: {  	s20 =	sadd.s32 $0x7000, s20;
	[sflag:s18] =	ssyncadd.s32 $0xFFFF8000  }
0x123: {  	[hbm4b:s20+s2] =	stream.linear.scatter [tilespmem:s10], [sflag:$0x4], $0x8000, $0x38;
	[tilespmem:$0x10200] =	vst v63  }
0x124: {  	_ =	swait.ge [sflag:s17], $0x8000  }
0x125: {  	[sflag:s17] =	ssyncset.done $0x0  }
0x126: {  	s21 =	simm.s32 $0x1A00;
	[sflag:s17] =	ssyncadd.s32 $0xFFFF8000  }
0x127: {  	s24 =	simm.s32 $0x2200;
	s25 =	simm.s32 $0x2A00;
	_ =	swait.ge [sflag:s19], $0x8000  }
0x128: {  	s28 =	simm.s32 $0x3200;
	s29 =	simm.s32 $0x3A00;
	s0 =	rddreg [dreg:$0x6]  }
0x129: {  	s30 =	simm.s32 $0x4200;
	s26 =	rddreg [dreg:$0x5];
	s0 =	sadd.s32 $0x1, s0  }
0x12a: {  	s1 =	simm.s32 $0x5200;
	s4 =	simm.s32 $0x5A00;
	p0 =	sne.s32 s0, s26  }
.Ltmp1:
0x12b: {  	s6 =	simm.s32 $0x6200;
	s7 =	simm.s32 $0x6A00;
	(pc) =	sbr.rel @p0 .LBB2_1-.Ltmp1, $4  }
0x12c: {  	s9 =	simm.s32 $0x7200;
	s11 =	simm.s32 $0x7A00;
	s12 =	simm.s32 $0x8A00  }
0x12d: {  	s13 =	simm.s32 $0x9200;
	s14 =	simm.s32 $0x9A00;
	[sflag:s19] =	ssyncset.done $0x0  }
0x12e: {  	s15 =	simm.s32 $0xA200;
	s8 =	simm.s32 $0xAA00;
	[sflag:s19] =	ssyncadd.s32 $0xFFFF8000  }
0x12f: {  	[dreg:$0x6] =	wrdreg s0;
	s0 =	simm.s32 $0x4A00;
	s26 =	simm.s32 $0x200  }
0x130: {  	_ =	sfence.sel $0x180000  }
0x131: {  	[bflag:$0x0] =	sbarrier.arrive $0xFFFF  }
0x132: {  	_ =	strace $0x90000047  }
0x133: {  	s0 =	stileid.u32;
	[bflag:$0x2] =	sbarrier.arrive $0xFFFF  }
0x134: {  	p0 =	sne.s32 s0, $0x0;
	s0 =	rddreg [dreg:$0x2]  }
0x135: {  	s0 =	sadd.s32 @!p0 $0x100000, s0  }
0x136: {  	[sflag:s0] =	ssyncadd.tile.s32 @!p0 $0x1;
	_ =	shalt  }
.Lfunc_end2:
_tile_overlayer_lowered:
.L_overlay_start_2:
0x137: {  	(tag) =	ssettag $0x2  }
0x138: {  	s0 =	rddreg [dreg:$0x0];
	s2 =	stileid.u32  }
0x139: {  	s1 =	rddreg [dreg:$0x1];
	p0 =	sne.s32 s2, $0x0  }
0x13a: {  	s3 =	rddreg [dreg:$0x2];
	[bflag:$0x3] =	sbarrier.arrive $0xFFFF;
	s2 =	simm.s32 @!p0 $0x1C05  }
0x13b: {  	[timem:s3], [sflag:s2] =	dma.local @!p0 [hbm:s0], s1  }
0x13c: {  	s0 =	simm.s32 @!p0 $0x5  }
0x13d: {  	_ =	swait.ge @!p0 [sflag:s0], s1  }
0x13e: {  	s1 =	ssub.s32 @!p0 $0x0, s1;
	[sflag:s0] =	ssyncset.done @!p0 $0x0  }
0x13f: {  	[sflag:s0] =	ssyncadd.s32 @!p0 s1  }
0x140: {  	[bflag:$0x3] =	sbarrier.arrive $0xFFFF  }
0x141: {  	_ =	shalt  }

</sc_bundles>
